<compile_context>
chip_gen: v7x
topology: tpu7x:2x2x1
jax: 0.10.2.dev20260603
libtpu: 0.0.44.dev20260713+nightly
codegen_flags: <defaults>
</compile_context>

<pallas_src>
import functools

import jax
import jax.numpy as jnp
from jax import lax
from jax.experimental import pallas as pl
from jax.experimental.pallas import tpu as pltpu
from jax.experimental.pallas import tpu_sc as plsc

N_EXPERTS = 16
TOP_K = 2
TM = 1024
NC = 2
NS = 16
L = 16
NW = NC * NS


def _logits_block(x_ref, w_ref, nu_ref, b_ref, nl_ref):
    y = jnp.dot(x_ref[...], w_ref[...], preferred_element_type=jnp.float32)
    logits = y[:, :N_EXPERTS]
    noisy = y[:, N_EXPERTS:]
    sp = jnp.maximum(noisy, 0.0) + jnp.log1p(jnp.exp(-jnp.abs(noisy)))
    nl_ref[...] = nu_ref[...] * sp + logits + b_ref[...]


def _make_sc_router(T):
    tpw = T // NW

    @functools.partial(
        pl.kernel,
        out_type=[
            jax.ShapeDtypeStruct((T * N_EXPERTS,), jnp.float32),
            jax.ShapeDtypeStruct((T * TOP_K,), jnp.int32),
        ],
        mesh=plsc.VectorSubcoreMesh(
            core_axis_name="c", subcore_axis_name="s",
            num_cores=NC, num_subcores=NS),
        compiler_params=pltpu.CompilerParams(
            needs_layout_passes=False, skip_device_barrier=True),
        scratch_types=[
            pltpu.VMEM((tpw * N_EXPERTS,), jnp.float32),
            pltpu.VMEM((tpw * N_EXPERTS,), jnp.float32),
            pltpu.VMEM((tpw * TOP_K,), jnp.int32),
        ],
    )
    def route(nl_hbm, probs_hbm, idx_hbm, nl_v, probs_v, idx_v):
        wid = lax.axis_index("s") * NC + lax.axis_index("c")
        base = wid * tpw
        pltpu.sync_copy(nl_hbm.at[pl.ds(base * N_EXPERTS, tpw * N_EXPERTS)], nl_v)
        pltpu.sync_copy(nl_v, probs_hbm.at[pl.ds(base * N_EXPERTS, tpw * N_EXPERTS)])
        pltpu.sync_copy(idx_v, idx_hbm.at[pl.ds(base * TOP_K, tpw * TOP_K)])
        return

        iota = lax.iota(jnp.int32, L)
        neg_inf = jnp.float32(-jnp.inf)

        def body(i, carry):
            tok = i * L + iota
            vs = [plsc.load_gather(nl_v, [tok, jnp.full((L,), e, jnp.int32)])
                  for e in range(N_EXPERTS)]
            m1 = vs[0]
            for e in range(1, N_EXPERTS):
                m1 = jnp.maximum(m1, vs[e])
            idx1 = jnp.zeros((L,), jnp.int32)
            for e in range(N_EXPERTS - 1, -1, -1):
                idx1 = jnp.where(vs[e] == m1, jnp.int32(e), idx1)
            vs2 = [jnp.where(idx1 == e, neg_inf, vs[e]) for e in range(N_EXPERTS)]
            m2 = vs2[0]
            for e in range(1, N_EXPERTS):
                m2 = jnp.maximum(m2, vs2[e])
            idx2 = jnp.zeros((L,), jnp.int32)
            for e in range(N_EXPERTS - 1, -1, -1):
                idx2 = jnp.where(vs2[e] == m2, jnp.int32(e), idx2)
            ex = jnp.exp(m2 - m1)
            p1 = 1.0 / (1.0 + ex)
            p2 = ex * p1
            zero = jnp.zeros((L,), jnp.float32)
            for e in range(N_EXPERTS):
                val = jnp.where(idx1 == e, p1, jnp.where(idx2 == e, p2, zero))
                plsc.store_scatter(probs_v, [tok, jnp.full((L,), e, jnp.int32)], val)
            plsc.store_scatter(idx_v, [tok, jnp.zeros((L,), jnp.int32)], idx1)
            plsc.store_scatter(idx_v, [tok, jnp.ones((L,), jnp.int32)], idx2)
            return carry

        lax.fori_loop(0, tpw // L, body, 0)
        pltpu.sync_copy(probs_v, probs_hbm.at[pl.ds(base, tpw), :])
        pltpu.sync_copy(idx_v, idx_hbm.at[pl.ds(base, tpw), :])

    return route


@jax.jit
def kernel(x, W_router, W_noise, bias, noise_u):
    B, S, D = x.shape
    E = W_router.shape[0]
    T = B * S
    xf = x.reshape(T, D)
    nuf = noise_u.reshape(T, E)
    w_cat = jnp.concatenate([W_router.T, W_noise.T], axis=1)
    b2 = bias.reshape(1, E)

    nl = pl.pallas_call(
        _logits_block,
        grid=(T // TM,),
        in_specs=[
            pl.BlockSpec((TM, D), lambda i: (i, 0)),
            pl.BlockSpec((D, 2 * E), lambda i: (0, 0)),
            pl.BlockSpec((TM, E), lambda i: (i, 0)),
            pl.BlockSpec((1, E), lambda i: (0, 0)),
        ],
        out_specs=pl.BlockSpec((TM, E), lambda i: (i, 0)),
        out_shape=jax.ShapeDtypeStruct((T, E), jnp.float32),
    )(xf, w_cat, nuf, b2)

    probs_f, idx_f = _make_sc_router(T)(nl.reshape(T * E))
    return probs_f.reshape(B, S, E), idx_f.reshape(B, S, TOP_K)

# --- scband reference (transcript-rebuilt; emitter-appended) ---
"""Pipeline reference for scband-noisy-top-krouter-29738353557800 (READ-ONLY COPY).

The authoritative reference and input builder live on the scoring server;
editing this copy changes nothing except your own understanding.
"""

import jax, jax.numpy as jnp
import numpy as np

N_EXPERTS = 16
TOP_K = 2
EMBED_DIM = 2048
BATCH = 4
SEQ_LEN = 4096


def setup_inputs(seed: int = 0) -> dict:
    key = jax.random.key(seed)
    k1, k2, k3, k4 = jax.random.split(key, 4)
    x = jax.random.normal(k1, (BATCH, SEQ_LEN, EMBED_DIM), dtype=jnp.float32)
    std = 0.02 / np.sqrt(EMBED_DIM)
    W_router = jax.random.normal(k2, (N_EXPERTS, EMBED_DIM), dtype=jnp.float32) * std
    W_noise = jax.random.normal(k3, (N_EXPERTS, EMBED_DIM), dtype=jnp.float32) * std
    bias = jnp.zeros((N_EXPERTS,), dtype=jnp.float32)
    # torch.rand_like noise realized as a fixed uniform sample for determinism
    noise_u = jax.random.uniform(k4, (BATCH, SEQ_LEN, N_EXPERTS), dtype=jnp.float32)
    return {"x": x, "W_router": W_router, "W_noise": W_noise, "bias": bias, "noise_u": noise_u}


def reference(x, W_router, W_noise, bias, noise_u):
    B, S, D = x.shape
    E = W_router.shape[0]
    # nn.Linear(embed_dim, n_experts, bias=False): y = x @ W.T
    logits = x @ W_router.T
    noisy_logits = x @ W_noise.T
    noise = noise_u * jax.nn.softplus(noisy_logits)
    noise_logits = noise + logits + bias
    flat = noise_logits.reshape(-1, E)
    topk_vals, idx = jax.lax.top_k(flat, TOP_K)
    rows = jnp.arange(flat.shape[0])[:, None]
    sparse = jnp.full(flat.shape, -jnp.inf, dtype=flat.dtype).at[rows, idx].set(topk_vals)
    probs = jax.nn.softmax(sparse, axis=-1)
    probs = probs.reshape(B, S, E)
    indices = idx.reshape(B, S, TOP_K)
    return probs, indices

if __name__ == "__main__":
    import jax
    _d = setup_inputs()
    print(jax.jit(kernel)(*tuple(_d.values())))

</pallas_src>

<mosaic_0001>
#map = affine_map<(d0, d1) -> (0)>
module attributes {stable_mosaic.version = 14 : i64} {
  func.func @route(%arg0: i32, %arg1: i32, %arg2: memref<262144xf32, #tpu.memory_space<hbm>>, %arg3: memref<262144xf32, #tpu.memory_space<hbm>>, %arg4: memref<32768xi32, #tpu.memory_space<hbm>>, %arg5: memref<8192xf32, #tpu.memory_space<vmem>>, %arg6: memref<8192xf32, #tpu.memory_space<vmem>>, %arg7: memref<1024xi32, #tpu.memory_space<vmem>>) attributes {dimension_semantics = [#tpu.dimension_semantics<core_parallel>, #tpu.dimension_semantics<subcore_parallel>], iteration_bounds = array<i64: 2, 16>, scalar_prefetch = 0 : i64, scratch_operands = 3 : i64, tpu.core_type = #tpu.core_type<sc_vector_subcore>, window_params = [{transform_indices = #map}, {transform_indices = #map}, {transform_indices = #map}]} {
    %mul3A = arith.constant 2 : i32
    %mul3A_0 = arith.muli %arg1, %mul3A : i32
    %add3A = arith.addi %mul3A_0, %arg0 : i32
    %mul3A_1 = arith.constant 512 : i32
    %mul3A_2 = arith.muli %add3A, %mul3A_1 : i32
    %mul3A_3 = arith.constant 16 : i32
    %mul3A_4 = arith.muli %mul3A_2, %mul3A_3 : i32
    "tpu.region"() ({
      %run_scoped3A = tpu.sem_alloc : memref<!tpu.dma_semaphore, #tpu.memory_space<semaphore_mem>>
      %dma_start3A = tpu.memref_slice %arg2[%mul3A_4] : memref<262144xf32, #tpu.memory_space<hbm>> -> memref<8192xf32, #tpu.memory_space<hbm>>
      %dma_start3A_9 = tpu.memref_slice %arg2[%mul3A_4] : memref<262144xf32, #tpu.memory_space<hbm>> -> memref<8192xf32, #tpu.memory_space<hbm>>
      tpu.enqueue_dma source(%dma_start3A_9 : memref<8192xf32, #tpu.memory_space<hbm>>) target(%arg5 : memref<8192xf32, #tpu.memory_space<vmem>>) target_semaphore(%run_scoped3A : memref<!tpu.dma_semaphore, #tpu.memory_space<semaphore_mem>>)
      %dma_wait3A = tpu.memref_slice %arg2[%mul3A_4] : memref<262144xf32, #tpu.memory_space<hbm>> -> memref<8192xf32, #tpu.memory_space<hbm>>
      %dma_wait3A_10 = tpu.memref_slice %arg2[%mul3A_4] : memref<262144xf32, #tpu.memory_space<hbm>> -> memref<8192xf32, #tpu.memory_space<hbm>>
      tpu.wait_dma2 semaphore(%run_scoped3A : memref<!tpu.dma_semaphore, #tpu.memory_space<semaphore_mem>>) src(%dma_wait3A_10 : memref<8192xf32, #tpu.memory_space<hbm>>) dst(%arg5 : memref<8192xf32, #tpu.memory_space<vmem>>)
      tpu.yield
    }) : () -> ()
    %mul3A_5 = arith.constant 16 : i32
    %mul3A_6 = arith.muli %mul3A_2, %mul3A_5 : i32
    "tpu.region"() ({
      %run_scoped3A = tpu.sem_alloc : memref<!tpu.dma_semaphore, #tpu.memory_space<semaphore_mem>>
      %dma_start3A = tpu.memref_slice %arg3[%mul3A_6] : memref<262144xf32, #tpu.memory_space<hbm>> -> memref<8192xf32, #tpu.memory_space<hbm>>
      %dma_start3A_9 = tpu.memref_slice %arg3[%mul3A_6] : memref<262144xf32, #tpu.memory_space<hbm>> -> memref<8192xf32, #tpu.memory_space<hbm>>
      tpu.enqueue_dma source(%arg5 : memref<8192xf32, #tpu.memory_space<vmem>>) target(%dma_start3A_9 : memref<8192xf32, #tpu.memory_space<hbm>>) target_semaphore(%run_scoped3A : memref<!tpu.dma_semaphore, #tpu.memory_space<semaphore_mem>>)
      %dma_wait3A = tpu.memref_slice %arg3[%mul3A_6] : memref<262144xf32, #tpu.memory_space<hbm>> -> memref<8192xf32, #tpu.memory_space<hbm>>
      %dma_wait3A_10 = tpu.memref_slice %arg3[%mul3A_6] : memref<262144xf32, #tpu.memory_space<hbm>> -> memref<8192xf32, #tpu.memory_space<hbm>>
      tpu.wait_dma2 semaphore(%run_scoped3A : memref<!tpu.dma_semaphore, #tpu.memory_space<semaphore_mem>>) src(%arg5 : memref<8192xf32, #tpu.memory_space<vmem>>) dst(%dma_wait3A_10 : memref<8192xf32, #tpu.memory_space<hbm>>)
      tpu.yield
    }) : () -> ()
    %mul3A_7 = arith.constant 2 : i32
    %mul3A_8 = arith.muli %mul3A_2, %mul3A_7 : i32
    "tpu.region"() ({
      %run_scoped3A = tpu.sem_alloc : memref<!tpu.dma_semaphore, #tpu.memory_space<semaphore_mem>>
      %dma_start3A = tpu.memref_slice %arg4[%mul3A_8] : memref<32768xi32, #tpu.memory_space<hbm>> -> memref<1024xi32, #tpu.memory_space<hbm>>
      %dma_start3A_9 = tpu.memref_slice %arg4[%mul3A_8] : memref<32768xi32, #tpu.memory_space<hbm>> -> memref<1024xi32, #tpu.memory_space<hbm>>
      tpu.enqueue_dma source(%arg7 : memref<1024xi32, #tpu.memory_space<vmem>>) target(%dma_start3A_9 : memref<1024xi32, #tpu.memory_space<hbm>>) target_semaphore(%run_scoped3A : memref<!tpu.dma_semaphore, #tpu.memory_space<semaphore_mem>>)
      %dma_wait3A = tpu.memref_slice %arg4[%mul3A_8] : memref<32768xi32, #tpu.memory_space<hbm>> -> memref<1024xi32, #tpu.memory_space<hbm>>
      %dma_wait3A_10 = tpu.memref_slice %arg4[%mul3A_8] : memref<32768xi32, #tpu.memory_space<hbm>> -> memref<1024xi32, #tpu.memory_space<hbm>>
      tpu.wait_dma2 semaphore(%run_scoped3A : memref<!tpu.dma_semaphore, #tpu.memory_space<semaphore_mem>>) src(%arg7 : memref<1024xi32, #tpu.memory_space<vmem>>) dst(%dma_wait3A_10 : memref<1024xi32, #tpu.memory_space<hbm>>)
      tpu.yield
    }) : () -> ()
    return
  }
}

module attributes {stable_mosaic.version = 14 : i64} {
  func.func @_logits_block(%arg0: i32, %arg1: memref<1024x2048xf32, #tpu.memory_space<vmem>>, %arg2: memref<2048x32xf32, #tpu.memory_space<vmem>>, %arg3: memref<1024x16xf32, #tpu.memory_space<vmem>>, %arg4: memref<1x16xf32, #tpu.memory_space<vmem>>, %arg5: memref<1024x16xf32, #tpu.memory_space<vmem>>) attributes {dimension_semantics = [#tpu.dimension_semantics<arbitrary>], iteration_bounds = array<i64: 16>, scalar_prefetch = 0 : i64, scratch_operands = 0 : i64, tpu.core_type = #tpu.core_type<tc>, window_params = [{transform_indices = @transform_0, window_bounds = array<i64: 1024, 2048>}, {pipeline_mode = #tpu.pipeline_mode<synchronous>, transform_indices = @transform_1, window_bounds = array<i64: 2048, 32>}, {transform_indices = @transform_2, window_bounds = array<i64: 1024, 16>}, {pipeline_mode = #tpu.pipeline_mode<synchronous>, transform_indices = @transform_3, window_bounds = array<i64: 1, 16>}, {transform_indices = @transform_4, window_bounds = array<i64: 1024, 16>}]} {
    %get3A = arith.constant 0 : index
    %get3A_0 = arith.constant 0 : index
    %get3A_1 = vector.load %arg1[%get3A, %get3A_0] : memref<1024x2048xf32, #tpu.memory_space<vmem>>, vector<1024x2048xf32>
    %get3A_2 = arith.constant 0 : index
    %get3A_3 = arith.constant 0 : index
    %get3A_4 = vector.load %arg2[%get3A_2, %get3A_3] : memref<2048x32xf32, #tpu.memory_space<vmem>>, vector<2048x32xf32>
    %dot_general3A = arith.constant dense<0.000000e+00> : vector<1024x32xf32>
    %dot_general3A_5 = tpu.matmul %get3A_1, %get3A_4, %dot_general3A {dimension_numbers = #tpu.dot_dimension_numbers<[1], [0], [0], [1], [0, 0, 1, 1], [], []>, transpose_lhs_hint = false} : vector<1024x2048xf32>, vector<2048x32xf32>, vector<1024x32xf32> -> vector<1024x32xf32>
    %slice3A = vector.extract_strided_slice %dot_general3A_5 {offsets = [0, 0], sizes = [1024, 16], strides = [1, 1]} : vector<1024x32xf32> to vector<1024x16xf32>
    %slice3A_6 = vector.extract_strided_slice %dot_general3A_5 {offsets = [0, 16], sizes = [1024, 16], strides = [1, 1]} : vector<1024x32xf32> to vector<1024x16xf32>
    %max3A = arith.constant 0.000000e+00 : f32
    %max3A_7 = vector.broadcast %max3A : f32 to vector<1024x16xf32>
    %max3A_8 = arith.maximumf %slice3A_6, %max3A_7 : vector<1024x16xf32>
    %abs3A = math.absf %slice3A_6 : vector<1024x16xf32>
    %neg3A = arith.constant 0.000000e+00 : f32
    %neg3A_9 = vector.broadcast %neg3A : f32 to vector<1024x16xf32>
    %neg3A_10 = arith.subf %neg3A_9, %abs3A : vector<1024x16xf32>
    %exp3A = math.exp %neg3A_10 : vector<1024x16xf32>
    %log1p3A = math.log1p %exp3A : vector<1024x16xf32>
    %add3A = arith.addf %max3A_8, %log1p3A : vector<1024x16xf32>
    %get3A_11 = arith.constant 0 : index
    %get3A_12 = arith.constant 0 : index
    %get3A_13 = vector.load %arg3[%get3A_11, %get3A_12] : memref<1024x16xf32, #tpu.memory_space<vmem>>, vector<1024x16xf32>
    %mul3A = arith.mulf %get3A_13, %add3A : vector<1024x16xf32>
    %add3A_14 = arith.addf %mul3A, %slice3A : vector<1024x16xf32>
    %get3A_15 = arith.constant 0 : index
    %get3A_16 = arith.constant 0 : index
    %get3A_17 = vector.load %arg4[%get3A_15, %get3A_16] : memref<1x16xf32, #tpu.memory_space<vmem>>, vector<1x16xf32>
    %add3A_18 = vector.broadcast %get3A_17 : vector<1x16xf32> to vector<1024x16xf32>
    %add3A_19 = arith.addf %add3A_14, %add3A_18 : vector<1024x16xf32>
    %swap3A = arith.constant 0 : index
    %swap3A_20 = arith.constant 0 : index
    %swap3A_21 = vector.load %arg5[%swap3A, %swap3A_20] : memref<1024x16xf32, #tpu.memory_space<vmem>>, vector<1024x16xf32>
    tpu.vector_store %arg5[%swap3A, %swap3A_20], %add3A_19 {strides = array<i32>} : memref<1024x16xf32, #tpu.memory_space<vmem>>, vector<1024x16xf32>,
    return
  }
  func.func @transform_0(%arg0: i32) -> (i32, i32) {
    %c0_i32 = arith.constant 0 : i32
    %c0_i32_0 = arith.constant 0 : i32
    return %arg0, %c0_i32 : i32, i32
  }
  func.func @transform_1(%arg0: i32) -> (i32, i32) {
    %c0_i32 = arith.constant 0 : i32
    %c0_i32_0 = arith.constant 0 : i32
    %c0_i32_1 = arith.constant 0 : i32
    return %c0_i32, %c0_i32_0 : i32, i32
  }
  func.func @transform_2(%arg0: i32) -> (i32, i32) {
    %c0_i32 = arith.constant 0 : i32
    %c0_i32_0 = arith.constant 0 : i32
    return %arg0, %c0_i32 : i32, i32
  }
  func.func @transform_3(%arg0: i32) -> (i32, i32) {
    %c0_i32 = arith.constant 0 : i32
    %c0_i32_0 = arith.constant 0 : i32
    %c0_i32_1 = arith.constant 0 : i32
    return %c0_i32, %c0_i32_0 : i32, i32
  }
  func.func @transform_4(%arg0: i32) -> (i32, i32) {
    %c0_i32 = arith.constant 0 : i32
    %c0_i32_0 = arith.constant 0 : i32
    return %arg0, %c0_i32 : i32, i32
  }
}

</mosaic_0001>

<sc_bundles>
// kernel: kernel.4.cloned.1.call-start
scs
__scs_entry_jumppad:
0x0: {  	(pc) =	sbr.rel $0x88, $3  }
0x1: {  	(tag) =	ssettag $0x0;
	lr =	simm.s32 $0x1  }
0x2: {  	[smem:$0x3F9C] =	sst lr;
	_ =	strace $0xD0000000  }
0x3: {  	_ = 	snop  }
0x4: {  	_ = 	snop  }
0x5: {  	_ = 	snop  }
0x6: {  	_ = 	snop  }
0x7: {  	_ = 	snop  }
__scs_overlays_trampoline_lowered:
0x8: {  	[smem:$0x3FAB] =	sst s0  }
0x9: {  	[smem:$0x3FAC] =	sst s1  }
0xa: {  	[smem:$0x3FAD] =	sst s2  }
0xb: {  	[smem:$0x3FAE] =	sst s3  }
0xc: {  	[smem:$0x3FAF] =	sst s4  }
0xd: {  	[smem:$0x3FB0] =	sst s5  }
0xe: {  	[smem:$0x3FB1] =	sst s6  }
0xf: {  	[smem:$0x3FB2] =	sst s7  }
0x10: {  	[smem:$0x3FB3] =	sst s8  }
0x11: {  	[smem:$0x3FB4] =	sst s9;
	s0 =	simm.s32 @!p0 $0x0  }
0x12: {  	s1 =	sld [smem:$0x3F9A];
	s0 =	simm.s32 @p0 $0x1  }
0x13: {  	[smem:$0x3FB5] =	sst s0;
	s0 =	simm.s32 @!p1 $0x0  }
0x14: {  	s2 =	sld [smem:$0x3F99];
	s0 =	simm.s32 @p1 $0x1  }
0x15: {  	[smem:$0x3FB6] =	sst s0;
	s0 =	simm.s32 @!p2 $0x0  }
0x16: {  	s3 =	sld [smem:$0x3FDB];
	s0 =	simm.s32 @p2 $0x1  }
0x17: {  	s4 =	simm.s32 $0x1BF5;
	[smem:$0x3FB8] =	sst s0  }
0x18: {  	s0 =	sld [smem:$0x3F9B];
	_ =	swait.ge [sflag:s4], $0x0  }
0x19: {  	s7 =	sld [smem:$0x3F9C]  }
0x1a: {  	s8 =	sadd.s32 $0xFFFFE003, lr  }
0x1b: {  	s9 =	sadd.s32 $0xFFFFFEF7, lr;
	s5 =	simm.s32 $0xFFFFFFFF;
	p2 =	slt.u32 s8, $0xFFFFF086  }
0x1c: {  	p1 =	slt.u32 s9, $0xF7A;
	s5 =	simm.s32 @!p2 $0x0  }
0x1d: {  	s5 =	simm.s32 @p1 $0x1;
	p0 =	seq.s32 s7, s2  }
0x1e: {  	s7 =	smul.u32 @!p0 $0xF7A, s2;
	p2 =	seq.s32 @!p0 s5, $0x0  }
0x1f: {  	s9 =	smul.u32 $0xF7A, s1;
	s8 =	simm.s32 @!p0 $0x1BF5;
	p2 =	por !p2, p0  }
0x20: {  	[sflag:s8] =	ssyncset.s32 @!p0 $0xFFFFF086;
	s6 =	sadd.s32 @!p0 s3, s7;
	s7 =	simm.s32 @!p0 $0x108  }
0x21: {  	s3 =	sadd.s32 s3, s9;
	s6 =	sadd.s32 @!p0 $0x88, s6;
	s7 =	simm.s32 @p2 $0x1082  }
0x22: {  	[simem:s7], [sflag:s8] =	dma.local @!p0 [hbm:s6], $0xF7A  }
0x23: {  	s9 =	sor.u32 $0xD0000000, s2;
	s6 =	simm.s32 $0x108;
	_ =	swait.ge @!p0 [sflag:s8], $0x0  }
0x24: {  	s3 =	sadd.s32 $0x88, s3;
	s6 =	simm.s32 @!p1 $0x1082;
	[sflag:s4] =	ssyncset.s32 $0xFFFFF086  }
0x25: {  	[simem:s6], [sflag:s4] =	dma.local [hbm:s3], $0xF7A  }
0x26: {  	[smem:$0x3F9C] =	sst s1;
	(tag) =	ssettag s2;
	_ =	strace s9  }
0x27: {  	s1 =	sld [smem:$0x3FAC]  }
0x28: {  	s2 =	sld [smem:$0x3FAD]  }
0x29: {  	s4 =	sld [smem:$0x3FAF]  }
0x2a: {  	p0 =	seq.s32 s5, $0x0;
	s5 =	sld [smem:$0x3FB0]  }
0x2b: {  	s6 =	sld [smem:$0x3FB1]  }
0x2c: {  	s7 =	sld [smem:$0x3FB2]  }
0x2d: {  	s3 =	simm.s32 $0x108;
	s8 =	sld [smem:$0x3FB3]  }
0x2e: {  	s3 =	simm.s32 @!p0 $0x1082;
	s9 =	sld [smem:$0x3FB4]  }
0x2f: {  	lr =	sadd.s32 s0, s3;
	s0 =	sld [smem:$0x3FAB]  }
0x30: {  	s3 =	sld [smem:$0x3FAE]  }
0x31: {  	[smem:$0x3FB7] =	sst s10  }
0x32: {  	s10 =	sld [smem:$0x3FB5];
	_ =	sdelay $0x3  }
0x33: {  	p0 =	seq.s32 s10, $0x1;
	s10 =	sld [smem:$0x3FB7];
	_ =	sdelay $0x3  }
0x34: {  	[smem:$0x3FB7] =	sst s10  }
0x35: {  	s10 =	sld [smem:$0x3FB6];
	_ =	sdelay $0x3  }
0x36: {  	p1 =	seq.s32 s10, $0x1;
	s10 =	sld [smem:$0x3FB7];
	_ =	sdelay $0x3  }
0x37: {  	[smem:$0x3FB7] =	sst s10  }
0x38: {  	s10 =	sld [smem:$0x3FB8]  }
0x39: {  	_ = 	snop;
	(pc) =	sbr.ind lr, $3  }
0x3a: {  	_ = 	snop  }
0x3b: {  	_ = 	snop  }
0x3c: {  	p2 =	seq.s32 s10, $0x1;
	s10 =	sld [smem:$0x3FB7]  }
0x3d: {  	_ =	shalt  }
0x3e: {  	_ =	shalt  }
0x3f: {  	_ =	shalt  }
0x40: {  	_ =	shalt  }
0x41: {  	_ =	shalt  }
0x42: {  	_ =	shalt  }
0x43: {  	_ =	shalt  }
0x44: {  	_ =	shalt  }
0x45: {  	_ =	shalt  }
0x46: {  	_ =	shalt  }
0x47: {  	_ =	shalt  }
0x48: {  	_ =	shalt  }
0x49: {  	_ =	shalt  }
0x4a: {  	_ =	shalt  }
0x4b: {  	_ =	shalt  }
0x4c: {  	_ =	shalt  }
0x4d: {  	_ =	shalt  }
0x4e: {  	_ =	shalt  }
0x4f: {  	_ =	shalt  }
0x50: {  	_ =	shalt  }
0x51: {  	_ =	shalt  }
0x52: {  	_ =	shalt  }
0x53: {  	_ =	shalt  }
0x54: {  	_ =	shalt  }
0x55: {  	_ =	shalt  }
0x56: {  	_ =	shalt  }
0x57: {  	_ =	shalt  }
0x58: {  	_ =	shalt  }
0x59: {  	_ =	shalt  }
0x5a: {  	_ =	shalt  }
0x5b: {  	_ =	shalt  }
0x5c: {  	_ =	shalt  }
0x5d: {  	_ =	shalt  }
0x5e: {  	_ =	shalt  }
0x5f: {  	_ =	shalt  }
0x60: {  	_ =	shalt  }
0x61: {  	_ =	shalt  }
0x62: {  	_ =	shalt  }
0x63: {  	_ =	shalt  }
0x64: {  	_ =	shalt  }
0x65: {  	_ =	shalt  }
0x66: {  	_ =	shalt  }
0x67: {  	_ =	shalt  }
0x68: {  	_ =	shalt  }
0x69: {  	_ =	shalt  }
0x6a: {  	_ =	shalt  }
0x6b: {  	_ =	shalt  }
0x6c: {  	_ =	shalt  }
0x6d: {  	_ =	shalt  }
0x6e: {  	_ =	shalt  }
0x6f: {  	_ =	shalt  }
0x70: {  	_ =	shalt  }
0x71: {  	_ =	shalt  }
0x72: {  	_ =	shalt  }
0x73: {  	_ =	shalt  }
0x74: {  	_ =	shalt  }
0x75: {  	_ =	shalt  }
0x76: {  	_ =	shalt  }
0x77: {  	_ =	shalt  }
0x78: {  	_ =	shalt  }
0x79: {  	_ =	shalt  }
0x7a: {  	_ =	shalt  }
0x7b: {  	_ =	shalt  }
0x7c: {  	_ =	shalt  }
0x7d: {  	_ =	shalt  }
0x7e: {  	_ =	shalt  }
0x7f: {  	_ =	shalt  }
0x80: {  	_ =	shalt  }
0x81: {  	_ =	shalt  }
0x82: {  	_ =	shalt  }
0x83: {  	_ =	shalt  }
0x84: {  	_ =	shalt  }
0x85: {  	_ =	shalt  }
0x86: {  	_ =	shalt  }
0x87: {  	_ =	shalt  }
.Lfunc_end0:
.L_simem_size_0:
called_computation_lowered:
.L_overlay_start_0:
0x88: {  	s2 =	sld [smem:$0x3FD9]  }
0x89: {  	s3 =	sld [smem:$0x3FFE];
	_ =	sdelay $0x1  }
0x8a: {  	s1 =	srdreg.scid  }
0x8b: {  	s0 =	sand.u32 $0x1, s1  }
0x8c: {  	s14 =	sshll.u32 s0, $0xA;
	s2 =	sadd.s32 s3, s2  }
0x8d: {  	s2 =	sadd.s32 s2, s14  }
0x8e: {  	[smem:$0x3FC3] =	sst s2  }
0x8f: {  	_ = 	snop  }
0x90: {  	s2 =	sld [smem:$0x3FD0];
	_ =	sdelay $0x2  }
0x91: {  	s15 =	simm.s32 $0xA;
	s4 =	simm.s32 $0x10  }
0x92: {  	[smem:s4], [sflag:s15] =	dma.local [hbm:s2], $0x1  }
0x93: {  	_ =	swait.eq [sflag:s15], $0x1  }
0x94: {  	[sflag:s15] =	ssyncset.done $0x0  }
0x95: {  	s16 =	sld [smem:$0x10];
	[sflag:s15] =	ssyncadd.s32 $0xFFFFFFFF  }
0x96: {  	s17 =	sld [smem:$0x11];
	(tm) =	ssettm $0x1  }
0x97: {  	s18 =	sld [smem:$0x3FFB];
	_ =	sdelay $0x3  }
0x98: {  	_ =	strace s18  }
0x99: {  	s4 =	sld [smem:$0x3FFC];
	_ =	sdelay $0x3  }
0x9a: {  	_ =	strace s4  }
0x9b: {  	s4 =	sld [smem:$0x3FFD];
	_ =	sdelay $0x3  }
0x9c: {  	_ =	strace s4  }
0x9d: {  	_ =	strace $0x8FFFFFFF  }
0x9e: {  	s19 =	sld [smem:$0x3FDB];
	_ =	sdelay $0x1  }
0x9f: {  	s5 =	simm.s32 $_scs_section_size  }
0xa0: {  	s6 =	simm.s32 $_size__tile_overlayer_lowered;
	s7 =	simm.s32 $_tile_overlayer_lowered  }
0xa1: {  	s22 =	simm.s32 $0x1BFF;
	s21 =	sshll.u32 s7, $0x1;
	s4 =	sadd.s32 s5, s19  }
0xa2: {  	s8 =	simm.s32 $0x0;
	s20 =	sshll.u32 s6, $0x1;
	s6 =	sadd.s32 s21, s4  }
0xa3: {  	[timem:s8], [sflag:s22] =	dma.local [hbm:s6], s20  }
0xa4: {  	_ =	swait.ge [sflag:s22], s20  }
0xa5: {  	s5 =	ssub.s32 $0x0, s20;
	[sflag:s22] =	ssyncset.done $0x0  }
0xa6: {  	[sflag:s22] =	ssyncadd.s32 s5;
	_ =	sdelay $0x1  }
0xa7: {  	s23 =	simm.s32 $0x1B8B  }
0xa8: {  	_ =	swait.ge [sflag:s23], $0x1  }
0xa9: {  	[sflag:s23] =	ssyncset.done $0x0  }
0xaa: {  	s25 =	simm.s32 $0x1B8E;
	s24 =	sld [smem:$0x3FFE];
	[sflag:s23] =	ssyncadd.s32 $0xFFFFFFFF  }
0xab: {  	s26 =	simm.s32 $execute0_lowered;
	[smem:$0x3FD2] =	sst s25  }
0xac: {  	s6 =	sshll.u32 s26, $0x1;
	_ =	strace $0x80000046;
	[dreg:$0x1] =	wrdreg $0xFFFFFFFF  }
0xad: {  	s28 =	simm.s32 $_size_execute0_lowered;
	s4 =	sadd.s32 s4, s6;
	[dreg:$0x0] =	wrdreg $0x0  }
0xae: {  	s6 =	sshll.u32 s28, $0x1;
	[dreg:$0x2] =	wrdreg s4  }
0xaf: {  	[dreg:$0x3] =	wrdreg s6  }
0xb0: {  	[dreg:$0x4] =	wrdreg $0xC0  }
0xb1: {  	_ =	task [dreg:s8], $0x5FFFF  }
0xb2: {  	[dreg:$0x1] =	wrdreg $0xFFFFFFFF  }
0xb3: {  	[dreg:$0x0] =	wrdreg $0x60  }
0xb4: {  	[dreg:$0x2] =	wrdreg s16  }
0xb5: {  	[dreg:$0x3] =	wrdreg s24  }
0xb6: {  	[dreg:$0x4] =	wrdreg s17  }
0xb7: {  	[dreg:$0x5] =	wrdreg $0x9  }
0xb8: {  	_ =	task.clear_ibuf [dreg:s8], $0x6FFFF;
	_ =	strace $0x90000046  }
0xb9: {  	s29 =	simm.s32 $0x9;
	_ =	strace $0x80000048  }
0xba: {  	_ =	swait.ge [sflag:s29], $0x1  }
0xbb: {  	[sflag:s29] =	ssyncadd.s32 $0xFFFFFFFF  }
0xbc: {  	_ =	strace $0x90000048  }
0xbd: {  	_ =	sfence  }
0xbe: {  	s30 =	sld [smem:$0x0];
	_ =	sdelay $0x2  }
0xbf: {  	s31 =	sshll.u32 s1, $0xD;
	s1 =	sshrl.u32 s1, $0x2  }
0xc0: {  	s3 =	sand.u32 $0x4000, s31;
	s1 =	sadd.s32 s1, s30  }
0xc1: {  	s0 =	sor.u32 s3, s0;
	s1 =	sshll.u32 s1, $0x11  }
0xc2: {  	s0 =	sor.u32 s1, s0  }
0xc3: {  	s0 =	sadd.s32 $0x8F2B, s0  }
0xc4: {  	[sflag:s0] =	ssyncadd.remote.s32 $0x1  }
0xc5: {  	_ =	sfence.sel $0xFFFF  }
0xc6: {  	[dreg:$0x0] =	wrdreg $0xFFFFFFFF;
	(pc) =	sbr.abs _section_cstart, $3  }
0xc7: {  	[dreg:$0x1] =	wrdreg $0xFFFFFFFF  }
0xc8: {  	_ =	task.clear_ibuf [dreg:s8], $0x2FFFF;
	_ =	strace $0x9FFFFFFF  }
0xc9: {  	(tm) =	ssettm $0x7FFFFFFF  }
tec
execute0_lowered:
.L_overlay_start_1:
0x0: {  	(tag) =	ssettag $0x1  }
0x1: {  	s3 =	rddreg [dreg:$0x0]  }
0x2: {  	s5 =	rddreg [dreg:$0x1];
	s1 =	srdreg.scid  }
0x3: {  	s0 =	stileid.u32;
	s6 =	rddreg [dreg:$0x2]  }
0x4: {  	s2 =	simm.s32 $0x0;
	s7 =	sand.u32 $0x1, s1;
	s4 =	sshll.u32 s0, $0x1  }
0x5: {  	[smem:$0x7FF] =	sst s2;
	s8 =	sor.u32 s7, s4  }
0x6: {  	s1 =	rddreg [dreg:$0x3];
	_ =	strace $0x80000047;
	s9 =	sshll.u32 s8, $0xA  }
0x7: {  	s7 =	ssub.s32 $0x2, s7;
	s4 =	sadd.s32 s3, s9;
	s3 =	simm.s32 $0x1  }
0x8: {  	[tilespmem:s2], [sflag:$0x1] =	stream.linear.gather [hbm4b:s4+s2], $0x2000, $0x38;
	[tilespmem:$0x2400] =	vst v63  }
0x9: {  	s30 =	sshrl.u32 s7, $0x1;
	_ =	swait.ge [sflag:s3], $0x2000  }
0xa: {  	s5 =	sadd.s32 s9, s5;
	s7 =	ssub.s32 s7, s30;
	[sflag:s3] =	ssyncset.done $0x0  }
0xb: {  	s5 =	sadd.s32 $0xC00, s5;
	s31 =	smax.u32 s7, $0x1;
	[sflag:s3] =	ssyncadd.s32 $0xFFFFE000  }
0xc: {  	[hbm4b:s5+s2] =	stream.linear.scatter [tilespmem:s2], [sflag:$0x1], $0x2000, $0x38;
	[tilespmem:$0x2400] =	vst v63  }
0xd: {  	p0 =	sne.s32 s31, $0x1;
	_ =	swait.ge [sflag:s3], $0x2000  }
.Ltmp0:
0xe: {  	s8 =	sshll.u32 s8, $0x7;
	[sflag:s3] =	ssyncset.done $0x0;
	(pc) =	sbr.rel @!p0 .LBB2_2-.Ltmp0, $4  }
0xf: {  	s6 =	sadd.s32 s6, s8;
	s7 =	simm.s32 $0x2000;
	[sflag:s3] =	ssyncadd.s32 $0xFFFFE000  }
0x10: {  	[hbm4b:s6+s2] =	stream.linear.scatter [tilespmem:s7], [sflag:$0x1], $0x400, $0x38;
	[tilespmem:$0x2400] =	vst v63  }
0x11: {  	_ =	swait.ge [sflag:s3], $0x400  }
0x12: {  	s8 =	sadd.s32 $0xFFFFFFFF, s31;
	[sflag:s3] =	ssyncset.done $0x0  }
.LBB2_1:
0x13: {  	p0 =	sne.s32 s8, $0x1;
	s8 =	sadd.s32 $0xFFFFFFFF, s8;
	[sflag:s3] =	ssyncadd.s32 $0xFFFFFC00  }
0x14: {  	[tilespmem:s2], [sflag:$0x1] =	stream.linear.gather [hbm4b:s4+s2], $0x2000, $0x38;
	[tilespmem:$0x2400] =	vst v63  }
0x15: {  	_ =	swait.ge [sflag:s3], $0x2000  }
0x16: {  	[sflag:s3] =	ssyncset.done $0x0  }
0x17: {  	[sflag:s3] =	ssyncadd.s32 $0xFFFFE000  }
0x18: {  	[hbm4b:s5+s2] =	stream.linear.scatter [tilespmem:s2], [sflag:$0x1], $0x2000, $0x38;
	[tilespmem:$0x2400] =	vst v63  }
0x19: {  	_ =	swait.ge [sflag:s3], $0x2000  }
.Ltmp1:
0x1a: {  	[sflag:s3] =	ssyncset.done $0x0;
	(pc) =	sbr.rel @p0 .LBB2_1-.Ltmp1, $4  }
0x1b: {  	[sflag:s3] =	ssyncadd.s32 $0xFFFFE000  }
0x1c: {  	[hbm4b:s6+s2] =	stream.linear.scatter [tilespmem:s7], [sflag:$0x1], $0x400, $0x38;
	[tilespmem:$0x2400] =	vst v63  }
0x1d: {  	_ =	swait.ge [sflag:s3], $0x400  }
0x1e: {  	[sflag:s3] =	ssyncset.done $0x0  }
.LBB2_2:
0x1f: {  	[sflag:s3] =	ssyncadd.s32 $0xFFFFFC00  }
0x20: {  	_ =	sfence.sel $0x180000  }
0x21: {  	[bflag:$0x0] =	sbarrier.arrive $0xFFFF  }
0x22: {  	p0 =	sne.s32 s0, $0x0;
	_ =	strace $0x90000047  }
0x23: {  	s0 =	sadd.s32 @!p0 $0x100000, s1;
	[bflag:$0x2] =	sbarrier.arrive $0xFFFF  }
0x24: {  	[sflag:s0] =	ssyncadd.tile.s32 @!p0 $0x1;
	_ =	shalt  }
.Lfunc_end2:
_tile_overlayer_lowered:
.L_overlay_start_2:
0x25: {  	(tag) =	ssettag $0x2  }
0x26: {  	s0 =	rddreg [dreg:$0x0];
	s2 =	stileid.u32  }
0x27: {  	s1 =	rddreg [dreg:$0x1];
	p0 =	sne.s32 s2, $0x0  }
0x28: {  	s3 =	rddreg [dreg:$0x2];
	[bflag:$0x3] =	sbarrier.arrive $0xFFFF;
	s2 =	simm.s32 @!p0 $0x1C01  }
0x29: {  	[timem:s3], [sflag:s2] =	dma.local @!p0 [hbm:s0], s1  }
0x2a: {  	s0 =	simm.s32 @!p0 $0x1  }
0x2b: {  	_ =	swait.ge @!p0 [sflag:s0], s1  }
0x2c: {  	s1 =	ssub.s32 @!p0 $0x0, s1;
	[sflag:s0] =	ssyncset.done @!p0 $0x0  }
0x2d: {  	[sflag:s0] =	ssyncadd.s32 @!p0 s1  }
0x2e: {  	[bflag:$0x3] =	sbarrier.arrive $0xFFFF  }
0x2f: {  	_ =	shalt  }

</sc_bundles>
